<compile_context>
chip_gen: v7x
topology: tpu7x:2x2x1
jax: 0.10.2.dev20260603
libtpu: 0.0.44.dev20260713+nightly
codegen_flags: <defaults>
</compile_context>

<pallas_src>
import functools

import jax
import jax.numpy as jnp
from jax import lax
from jax.experimental import pallas as pl
from jax.experimental.pallas import tpu as pltpu
from jax.experimental.pallas import tpu_sc as plsc

_N = 100000
_NUM_TYPES = 100
_NC = 2
_NS = 16
_NW = _NC * _NS
_L = 16
_B_PER_W = 3136
_LAST_BASE = _N - _B_PER_W
_UNROLL = 7
_VECS = _B_PER_W // _L

_mesh = plsc.VectorSubcoreMesh(core_axis_name="c", subcore_axis_name="s")


@functools.partial(
    pl.kernel,
    out_type=jax.ShapeDtypeStruct((_N,), jnp.float32),
    mesh=_mesh,
    scratch_types=[
        pltpu.VMEM((_B_PER_W,), jnp.int32),
        pltpu.VMEM((_B_PER_W,), jnp.float32),
        pltpu.VMEM((_B_PER_W,), jnp.float32),
        pltpu.VMEM((_NUM_TYPES,), jnp.float32),
        pltpu.SemaphoreType.DMA,
    ],
    compiler_params=pltpu.CompilerParams(needs_layout_passes=False),
)
def _sc_embed_add(idx_hbm, en_hbm, tab_hbm, out_hbm, idx_v, en_v, out_v, tab_v,
                  sem):
    wid = lax.axis_index("s") * _NC + lax.axis_index("c")
    base = lax.min(wid * _B_PER_W, _LAST_BASE)
    c1 = pltpu.async_copy(tab_hbm, tab_v, sem)
    c2 = pltpu.async_copy(idx_hbm.at[pl.ds(base, _B_PER_W)], idx_v, sem)
    c3 = pltpu.async_copy(en_hbm.at[pl.ds(base, _B_PER_W)], en_v, sem)
    c1.wait()
    c2.wait()
    c3.wait()

    @plsc.parallel_loop(0, _VECS, 1, unroll=_UNROLL)
    def body(j):
        off = j * _L
        iv = idx_v[pl.ds(off, _L)]
        g = plsc.load_gather(tab_v, [iv])
        out_v[pl.ds(off, _L)] = g + en_v[pl.ds(off, _L)]

    pltpu.sync_copy(out_v, out_hbm.at[pl.ds(base, _B_PER_W)])


def kernel(atom_type, pos, atomic_energy, emb_weight):
    out = _sc_embed_add(
        atom_type.reshape(-1),
        atomic_energy.reshape(-1),
        emb_weight.reshape(-1),
    )
    return out.reshape(_N, 1).astype(pos.dtype)

# --- scband reference (transcript-rebuilt; emitter-appended) ---
"""Pipeline reference for scband-species-energy-embedding-87213605913088 (READ-ONLY COPY).

The authoritative reference and input builder live on the scoring server;
editing this copy changes nothing except your own understanding.
"""

import jax, jax.numpy as jnp
import numpy as np

NUM_TYPES = 100
N_ATOMS = 100000

def setup_inputs(seed: int = 0) -> dict:
    key = jax.random.key(seed)
    k1, k2, k3, k4 = jax.random.split(key, 4)
    atom_type = jax.random.randint(k1, (N_ATOMS, 1), 0, NUM_TYPES, dtype=jnp.int64 if jax.config.jax_enable_x64 else jnp.int32).astype(jnp.int32)
    pos = jax.random.normal(k2, (N_ATOMS, 3), dtype=jnp.float32)
    atomic_energy = jax.random.normal(k3, (N_ATOMS, 1), dtype=jnp.float32)
    # Embedding table: torch.nn.Embedding(num_types, 1) with uniform(-sqrt(3), sqrt(3)) init
    emb_weight = jax.random.uniform(k4, (NUM_TYPES, 1), dtype=jnp.float32, minval=-np.sqrt(3), maxval=np.sqrt(3))
    return {"atom_type": atom_type, "pos": pos, "atomic_energy": atomic_energy, "emb_weight": emb_weight}

def reference(atom_type, pos, atomic_energy, emb_weight):
    # type_numbers = data[ATOM_TYPE_KEY].squeeze(-1)
    type_numbers = jnp.squeeze(atom_type, axis=-1)
    # node_energy = embedding_net(type_numbers), cast to positions dtype
    node_energy = jnp.take(emb_weight, type_numbers, axis=0).astype(pos.dtype)
    # add_collect=True: per_atom_energy = per_atom_energy + node_energy
    per_atom_energy = atomic_energy + node_energy
    return per_atom_energy

if __name__ == "__main__":
    import jax
    _d = setup_inputs()
    print(jax.jit(kernel)(*tuple(_d.values())))

</pallas_src>

<mosaic_0001>
#map = affine_map<(d0, d1) -> (0)>
module attributes {stable_mosaic.version = 14 : i64} {
  func.func @_sc_embed_add(%arg0: i32, %arg1: i32, %arg2: memref<100000xi32, #tpu.memory_space<hbm>>, %arg3: memref<100000xf32, #tpu.memory_space<hbm>>, %arg4: memref<100xf32, #tpu.memory_space<hbm>>, %arg5: memref<100000xf32, #tpu.memory_space<hbm>>, %arg6: memref<3136xi32, #tpu.memory_space<vmem>>, %arg7: memref<3136xf32, #tpu.memory_space<vmem>>, %arg8: memref<3136xf32, #tpu.memory_space<vmem>>, %arg9: memref<100xf32, #tpu.memory_space<vmem>>, %arg10: memref<!tpu.dma_semaphore, #tpu.memory_space<semaphore_mem>>) attributes {dimension_semantics = [#tpu.dimension_semantics<core_parallel>, #tpu.dimension_semantics<subcore_parallel>], iteration_bounds = array<i64: 2, 16>, scalar_prefetch = 0 : i64, scratch_operands = 5 : i64, tpu.core_type = #tpu.core_type<sc_vector_subcore>, window_params = [{transform_indices = #map}, {transform_indices = #map}, {transform_indices = #map}, {transform_indices = #map}]} {
    %mul3A = arith.constant 2 : i32
    %mul3A_0 = arith.muli %arg1, %mul3A : i32
    %add3A = arith.addi %mul3A_0, %arg0 : i32
    %mul3A_1 = arith.constant 3136 : i32
    %mul3A_2 = arith.muli %add3A, %mul3A_1 : i32
    %min3A = arith.constant 96864 : i32
    %min3A_3 = arith.minsi %mul3A_2, %min3A : i32
    tpu.enqueue_dma source(%arg4 : memref<100xf32, #tpu.memory_space<hbm>>) target(%arg9 : memref<100xf32, #tpu.memory_space<vmem>>) target_semaphore(%arg10 : memref<!tpu.dma_semaphore, #tpu.memory_space<semaphore_mem>>)
    %dma_start3A = tpu.memref_slice %arg2[%min3A_3] : memref<100000xi32, #tpu.memory_space<hbm>> -> memref<3136xi32, #tpu.memory_space<hbm>>
    %dma_start3A_4 = tpu.memref_slice %arg2[%min3A_3] : memref<100000xi32, #tpu.memory_space<hbm>> -> memref<3136xi32, #tpu.memory_space<hbm>>
    tpu.enqueue_dma source(%dma_start3A_4 : memref<3136xi32, #tpu.memory_space<hbm>>) target(%arg6 : memref<3136xi32, #tpu.memory_space<vmem>>) target_semaphore(%arg10 : memref<!tpu.dma_semaphore, #tpu.memory_space<semaphore_mem>>)
    %dma_start3A_5 = tpu.memref_slice %arg3[%min3A_3] : memref<100000xf32, #tpu.memory_space<hbm>> -> memref<3136xf32, #tpu.memory_space<hbm>>
    %dma_start3A_6 = tpu.memref_slice %arg3[%min3A_3] : memref<100000xf32, #tpu.memory_space<hbm>> -> memref<3136xf32, #tpu.memory_space<hbm>>
    tpu.enqueue_dma source(%dma_start3A_6 : memref<3136xf32, #tpu.memory_space<hbm>>) target(%arg7 : memref<3136xf32, #tpu.memory_space<vmem>>) target_semaphore(%arg10 : memref<!tpu.dma_semaphore, #tpu.memory_space<semaphore_mem>>)
    tpu.wait_dma2 semaphore(%arg10 : memref<!tpu.dma_semaphore, #tpu.memory_space<semaphore_mem>>) src(%arg4 : memref<100xf32, #tpu.memory_space<hbm>>) dst(%arg9 : memref<100xf32, #tpu.memory_space<vmem>>)
    %dma_wait3A = tpu.memref_slice %arg2[%min3A_3] : memref<100000xi32, #tpu.memory_space<hbm>> -> memref<3136xi32, #tpu.memory_space<hbm>>
    %dma_wait3A_7 = tpu.memref_slice %arg2[%min3A_3] : memref<100000xi32, #tpu.memory_space<hbm>> -> memref<3136xi32, #tpu.memory_space<hbm>>
    tpu.wait_dma2 semaphore(%arg10 : memref<!tpu.dma_semaphore, #tpu.memory_space<semaphore_mem>>) src(%dma_wait3A_7 : memref<3136xi32, #tpu.memory_space<hbm>>) dst(%arg6 : memref<3136xi32, #tpu.memory_space<vmem>>)
    %dma_wait3A_8 = tpu.memref_slice %arg3[%min3A_3] : memref<100000xf32, #tpu.memory_space<hbm>> -> memref<3136xf32, #tpu.memory_space<hbm>>
    %dma_wait3A_9 = tpu.memref_slice %arg3[%min3A_3] : memref<100000xf32, #tpu.memory_space<hbm>> -> memref<3136xf32, #tpu.memory_space<hbm>>
    tpu.wait_dma2 semaphore(%arg10 : memref<!tpu.dma_semaphore, #tpu.memory_space<semaphore_mem>>) src(%dma_wait3A_9 : memref<3136xf32, #tpu.memory_space<hbm>>) dst(%arg7 : memref<3136xf32, #tpu.memory_space<vmem>>)
    %parallel_loop3A = arith.constant 0 : i32
    %parallel_loop3A_10 = arith.constant 196 : i32
    %parallel_loop3A_11 = arith.constant 1 : i32
    scf.for %parallel_loop3A_12 = %parallel_loop3A to %parallel_loop3A_10 step %parallel_loop3A_11  : i32 {
      %parallel_loop3A_13 = arith.constant 16 : i32
      %parallel_loop3A_14 = arith.muli %parallel_loop3A_12, %parallel_loop3A_13 : i32
      %parallel_loop3A_15 = arith.index_cast %parallel_loop3A_14 : i32 to index
      %parallel_loop3A_16 = tpu.vector_load %arg6[%parallel_loop3A_15] {strides = array<i32>} : memref<3136xi32, #tpu.memory_space<vmem>>, vector<16xi32>,
      %parallel_loop3A_17 = tpu.vector_load_idx %arg9[%parallel_loop3A_16] : memref<100xf32, #tpu.memory_space<vmem>>[vector<16xi32>], vector<16xf32>,
      %parallel_loop3A_18 = arith.index_cast %parallel_loop3A_14 : i32 to index
      %parallel_loop3A_19 = tpu.vector_load %arg7[%parallel_loop3A_18] {strides = array<i32>} : memref<3136xf32, #tpu.memory_space<vmem>>, vector<16xf32>,
      %parallel_loop3A_20 = arith.addf %parallel_loop3A_17, %parallel_loop3A_19 : vector<16xf32>
      %parallel_loop3A_21 = arith.index_cast %parallel_loop3A_14 : i32 to index
      %parallel_loop3A_22 = tpu.vector_load %arg8[%parallel_loop3A_21] {strides = array<i32>} : memref<3136xf32, #tpu.memory_space<vmem>>, vector<16xf32>,
      tpu.vector_store %arg8[%parallel_loop3A_21], %parallel_loop3A_20 {strides = array<i32>} : memref<3136xf32, #tpu.memory_space<vmem>>, vector<16xf32>,
    } {sc.loop_unroll_factor = 7 : i64, sc.parallel_access}
    "tpu.region"() ({
      %run_scoped3A = tpu.sem_alloc : memref<!tpu.dma_semaphore, #tpu.memory_space<semaphore_mem>>
      %dma_start3A_12 = tpu.memref_slice %arg5[%min3A_3] : memref<100000xf32, #tpu.memory_space<hbm>> -> memref<3136xf32, #tpu.memory_space<hbm>>
      %dma_start3A_13 = tpu.memref_slice %arg5[%min3A_3] : memref<100000xf32, #tpu.memory_space<hbm>> -> memref<3136xf32, #tpu.memory_space<hbm>>
      tpu.enqueue_dma source(%arg8 : memref<3136xf32, #tpu.memory_space<vmem>>) target(%dma_start3A_13 : memref<3136xf32, #tpu.memory_space<hbm>>) target_semaphore(%run_scoped3A : memref<!tpu.dma_semaphore, #tpu.memory_space<semaphore_mem>>)
      %dma_wait3A_14 = tpu.memref_slice %arg5[%min3A_3] : memref<100000xf32, #tpu.memory_space<hbm>> -> memref<3136xf32, #tpu.memory_space<hbm>>
      %dma_wait3A_15 = tpu.memref_slice %arg5[%min3A_3] : memref<100000xf32, #tpu.memory_space<hbm>> -> memref<3136xf32, #tpu.memory_space<hbm>>
      tpu.wait_dma2 semaphore(%run_scoped3A : memref<!tpu.dma_semaphore, #tpu.memory_space<semaphore_mem>>) src(%arg8 : memref<3136xf32, #tpu.memory_space<vmem>>) dst(%dma_wait3A_15 : memref<3136xf32, #tpu.memory_space<hbm>>)
      tpu.yield
    }) : () -> ()
    return
  }
}

</mosaic_0001>

<sc_bundles>
// kernel: kernel.3.cloned.1.call-start
scs
__scs_entry_jumppad:
0x0: {  	(pc) =	sbr.rel $0x88, $3  }
0x1: {  	(tag) =	ssettag $0x0;
	lr =	simm.s32 $0x1  }
0x2: {  	[smem:$0x3F9E] =	sst lr;
	_ =	strace $0xD0000000  }
0x3: {  	_ = 	snop  }
0x4: {  	_ = 	snop  }
0x5: {  	_ = 	snop  }
0x6: {  	_ = 	snop  }
0x7: {  	_ = 	snop  }
__scs_overlays_trampoline_lowered:
0x8: {  	[smem:$0x3FAD] =	sst s0  }
0x9: {  	[smem:$0x3FAE] =	sst s1  }
0xa: {  	[smem:$0x3FAF] =	sst s2  }
0xb: {  	[smem:$0x3FB0] =	sst s3  }
0xc: {  	[smem:$0x3FB1] =	sst s4  }
0xd: {  	[smem:$0x3FB2] =	sst s5  }
0xe: {  	[smem:$0x3FB3] =	sst s6  }
0xf: {  	[smem:$0x3FB4] =	sst s7  }
0x10: {  	[smem:$0x3FB5] =	sst s8  }
0x11: {  	[smem:$0x3FB6] =	sst s9;
	s0 =	simm.s32 @!p0 $0x0  }
0x12: {  	s1 =	sld [smem:$0x3F9C];
	s0 =	simm.s32 @p0 $0x1  }
0x13: {  	[smem:$0x3FB7] =	sst s0;
	s0 =	simm.s32 @!p1 $0x0  }
0x14: {  	s2 =	sld [smem:$0x3F9B];
	s0 =	simm.s32 @p1 $0x1  }
0x15: {  	[smem:$0x3FB8] =	sst s0;
	s0 =	simm.s32 @!p2 $0x0  }
0x16: {  	s3 =	sld [smem:$0x3FDB];
	s0 =	simm.s32 @p2 $0x1  }
0x17: {  	s4 =	simm.s32 $0x1BF5;
	[smem:$0x3FBA] =	sst s0  }
0x18: {  	s0 =	sld [smem:$0x3F9D];
	_ =	swait.ge [sflag:s4], $0x0  }
0x19: {  	s7 =	sld [smem:$0x3F9E]  }
0x1a: {  	s8 =	sadd.s32 $0xFFFFE003, lr  }
0x1b: {  	s9 =	sadd.s32 $0xFFFFFEF7, lr;
	s5 =	simm.s32 $0xFFFFFFFF;
	p2 =	slt.u32 s8, $0xFFFFF086  }
0x1c: {  	p1 =	slt.u32 s9, $0xF7A;
	s5 =	simm.s32 @!p2 $0x0  }
0x1d: {  	s5 =	simm.s32 @p1 $0x1;
	p0 =	seq.s32 s7, s2  }
0x1e: {  	s7 =	smul.u32 @!p0 $0xF7A, s2;
	p2 =	seq.s32 @!p0 s5, $0x0  }
0x1f: {  	s9 =	smul.u32 $0xF7A, s1;
	s8 =	simm.s32 @!p0 $0x1BF5;
	p2 =	por !p2, p0  }
0x20: {  	[sflag:s8] =	ssyncset.s32 @!p0 $0xFFFFF086;
	s6 =	sadd.s32 @!p0 s3, s7;
	s7 =	simm.s32 @!p0 $0x108  }
0x21: {  	s3 =	sadd.s32 s3, s9;
	s6 =	sadd.s32 @!p0 $0x88, s6;
	s7 =	simm.s32 @p2 $0x1082  }
0x22: {  	[simem:s7], [sflag:s8] =	dma.local @!p0 [hbm:s6], $0xF7A  }
0x23: {  	s9 =	sor.u32 $0xD0000000, s2;
	s6 =	simm.s32 $0x108;
	_ =	swait.ge @!p0 [sflag:s8], $0x0  }
0x24: {  	s3 =	sadd.s32 $0x88, s3;
	s6 =	simm.s32 @!p1 $0x1082;
	[sflag:s4] =	ssyncset.s32 $0xFFFFF086  }
0x25: {  	[simem:s6], [sflag:s4] =	dma.local [hbm:s3], $0xF7A  }
0x26: {  	[smem:$0x3F9E] =	sst s1;
	(tag) =	ssettag s2;
	_ =	strace s9  }
0x27: {  	s1 =	sld [smem:$0x3FAE]  }
0x28: {  	s2 =	sld [smem:$0x3FAF]  }
0x29: {  	s4 =	sld [smem:$0x3FB1]  }
0x2a: {  	p0 =	seq.s32 s5, $0x0;
	s5 =	sld [smem:$0x3FB2]  }
0x2b: {  	s6 =	sld [smem:$0x3FB3]  }
0x2c: {  	s7 =	sld [smem:$0x3FB4]  }
0x2d: {  	s3 =	simm.s32 $0x108;
	s8 =	sld [smem:$0x3FB5]  }
0x2e: {  	s3 =	simm.s32 @!p0 $0x1082;
	s9 =	sld [smem:$0x3FB6]  }
0x2f: {  	lr =	sadd.s32 s0, s3;
	s0 =	sld [smem:$0x3FAD]  }
0x30: {  	s3 =	sld [smem:$0x3FB0]  }
0x31: {  	[smem:$0x3FB9] =	sst s10  }
0x32: {  	s10 =	sld [smem:$0x3FB7];
	_ =	sdelay $0x3  }
0x33: {  	p0 =	seq.s32 s10, $0x1;
	s10 =	sld [smem:$0x3FB9];
	_ =	sdelay $0x3  }
0x34: {  	[smem:$0x3FB9] =	sst s10  }
0x35: {  	s10 =	sld [smem:$0x3FB8];
	_ =	sdelay $0x3  }
0x36: {  	p1 =	seq.s32 s10, $0x1;
	s10 =	sld [smem:$0x3FB9];
	_ =	sdelay $0x3  }
0x37: {  	[smem:$0x3FB9] =	sst s10  }
0x38: {  	s10 =	sld [smem:$0x3FBA]  }
0x39: {  	_ = 	snop;
	(pc) =	sbr.ind lr, $3  }
0x3a: {  	_ = 	snop  }
0x3b: {  	_ = 	snop  }
0x3c: {  	p2 =	seq.s32 s10, $0x1;
	s10 =	sld [smem:$0x3FB9]  }
0x3d: {  	_ =	shalt  }
0x3e: {  	_ =	shalt  }
0x3f: {  	_ =	shalt  }
0x40: {  	_ =	shalt  }
0x41: {  	_ =	shalt  }
0x42: {  	_ =	shalt  }
0x43: {  	_ =	shalt  }
0x44: {  	_ =	shalt  }
0x45: {  	_ =	shalt  }
0x46: {  	_ =	shalt  }
0x47: {  	_ =	shalt  }
0x48: {  	_ =	shalt  }
0x49: {  	_ =	shalt  }
0x4a: {  	_ =	shalt  }
0x4b: {  	_ =	shalt  }
0x4c: {  	_ =	shalt  }
0x4d: {  	_ =	shalt  }
0x4e: {  	_ =	shalt  }
0x4f: {  	_ =	shalt  }
0x50: {  	_ =	shalt  }
0x51: {  	_ =	shalt  }
0x52: {  	_ =	shalt  }
0x53: {  	_ =	shalt  }
0x54: {  	_ =	shalt  }
0x55: {  	_ =	shalt  }
0x56: {  	_ =	shalt  }
0x57: {  	_ =	shalt  }
0x58: {  	_ =	shalt  }
0x59: {  	_ =	shalt  }
0x5a: {  	_ =	shalt  }
0x5b: {  	_ =	shalt  }
0x5c: {  	_ =	shalt  }
0x5d: {  	_ =	shalt  }
0x5e: {  	_ =	shalt  }
0x5f: {  	_ =	shalt  }
0x60: {  	_ =	shalt  }
0x61: {  	_ =	shalt  }
0x62: {  	_ =	shalt  }
0x63: {  	_ =	shalt  }
0x64: {  	_ =	shalt  }
0x65: {  	_ =	shalt  }
0x66: {  	_ =	shalt  }
0x67: {  	_ =	shalt  }
0x68: {  	_ =	shalt  }
0x69: {  	_ =	shalt  }
0x6a: {  	_ =	shalt  }
0x6b: {  	_ =	shalt  }
0x6c: {  	_ =	shalt  }
0x6d: {  	_ =	shalt  }
0x6e: {  	_ =	shalt  }
0x6f: {  	_ =	shalt  }
0x70: {  	_ =	shalt  }
0x71: {  	_ =	shalt  }
0x72: {  	_ =	shalt  }
0x73: {  	_ =	shalt  }
0x74: {  	_ =	shalt  }
0x75: {  	_ =	shalt  }
0x76: {  	_ =	shalt  }
0x77: {  	_ =	shalt  }
0x78: {  	_ =	shalt  }
0x79: {  	_ =	shalt  }
0x7a: {  	_ =	shalt  }
0x7b: {  	_ =	shalt  }
0x7c: {  	_ =	shalt  }
0x7d: {  	_ =	shalt  }
0x7e: {  	_ =	shalt  }
0x7f: {  	_ =	shalt  }
0x80: {  	_ =	shalt  }
0x81: {  	_ =	shalt  }
0x82: {  	_ =	shalt  }
0x83: {  	_ =	shalt  }
0x84: {  	_ =	shalt  }
0x85: {  	_ =	shalt  }
0x86: {  	_ =	shalt  }
0x87: {  	_ =	shalt  }
.Lfunc_end0:
.L_simem_size_0:
called_computation_lowered:
.L_overlay_start_0:
0x88: {  	s2 =	sld [smem:$0x3FD9]  }
0x89: {  	s3 =	sld [smem:$0x3FFE];
	_ =	sdelay $0x1  }
0x8a: {  	s1 =	srdreg.scid  }
0x8b: {  	s0 =	sand.u32 $0x1, s1  }
0x8c: {  	s17 =	sshll.u32 s0, $0xA;
	s2 =	sadd.s32 s3, s2  }
0x8d: {  	s2 =	sadd.s32 s2, s17  }
0x8e: {  	[smem:$0x3FC5] =	sst s2  }
0x8f: {  	_ = 	snop  }
0x90: {  	s2 =	sld [smem:$0x3FC7];
	(tm) =	ssettm $0x1  }
0x91: {  	s18 =	sld [smem:$0x3FFB];
	_ =	sdelay $0x3  }
0x92: {  	_ =	strace s18  }
0x93: {  	s3 =	sld [smem:$0x3FFC];
	_ =	sdelay $0x3  }
0x94: {  	_ =	strace s3  }
0x95: {  	s3 =	sld [smem:$0x3FFD];
	_ =	sdelay $0x3  }
0x96: {  	_ =	strace s3  }
0x97: {  	_ =	strace $0x8FFFFFFF  }
0x98: {  	s19 =	sld [smem:$0x3FDB];
	_ =	sdelay $0x1  }
0x99: {  	s4 =	simm.s32 $_scs_section_size  }
0x9a: {  	s5 =	simm.s32 $_size__tile_overlayer_lowered;
	s6 =	simm.s32 $_tile_overlayer_lowered  }
0x9b: {  	s22 =	simm.s32 $0x1BFF;
	s21 =	sshll.u32 s6, $0x1;
	s3 =	sadd.s32 s4, s19  }
0x9c: {  	s7 =	simm.s32 $0x0;
	s20 =	sshll.u32 s5, $0x1;
	s5 =	sadd.s32 s21, s3  }
0x9d: {  	[timem:s7], [sflag:s22] =	dma.local [hbm:s5], s20  }
0x9e: {  	_ =	swait.ge [sflag:s22], s20  }
0x9f: {  	s4 =	ssub.s32 $0x0, s20;
	[sflag:s22] =	ssyncset.done $0x0  }
0xa0: {  	[sflag:s22] =	ssyncadd.s32 s4;
	_ =	sdelay $0x1  }
0xa1: {  	s23 =	simm.s32 $0x1B8B  }
0xa2: {  	_ =	swait.ge [sflag:s23], $0x1  }
0xa3: {  	[sflag:s23] =	ssyncset.done $0x0  }
0xa4: {  	s25 =	simm.s32 $0x1B8E;
	s24 =	sld [smem:$0x3FFE];
	[sflag:s23] =	ssyncadd.s32 $0xFFFFFFFF  }
0xa5: {  	s26 =	simm.s32 $execute0_lowered;
	[smem:$0x3FD2] =	sst s25  }
0xa6: {  	s5 =	sshll.u32 s26, $0x1;
	_ =	strace $0x80000046;
	[dreg:$0x1] =	wrdreg $0xFFFFFFFF  }
0xa7: {  	s28 =	simm.s32 $_size_execute0_lowered;
	s3 =	sadd.s32 s3, s5;
	[dreg:$0x0] =	wrdreg $0x0  }
0xa8: {  	s5 =	sshll.u32 s28, $0x1;
	[dreg:$0x2] =	wrdreg s3  }
0xa9: {  	[dreg:$0x3] =	wrdreg s5  }
0xaa: {  	[dreg:$0x4] =	wrdreg $0xC0  }
0xab: {  	_ =	task [dreg:s7], $0x5FFFF  }
0xac: {  	[dreg:$0x1] =	wrdreg $0xFFFFFFFF  }
0xad: {  	[dreg:$0x0] =	wrdreg $0x60  }
0xae: {  	[dreg:$0x2] =	wrdreg s24  }
0xaf: {  	[dreg:$0x3] =	wrdreg s2  }
0xb0: {  	[dreg:$0x4] =	wrdreg $0x9  }
0xb1: {  	_ =	task.clear_ibuf [dreg:s7], $0x5FFFF;
	_ =	strace $0x90000046  }
0xb2: {  	s29 =	simm.s32 $0x9;
	_ =	strace $0x80000048  }
0xb3: {  	_ =	swait.ge [sflag:s29], $0x1  }
0xb4: {  	[sflag:s29] =	ssyncadd.s32 $0xFFFFFFFF  }
0xb5: {  	_ =	strace $0x90000048  }
0xb6: {  	_ =	sfence  }
0xb7: {  	s30 =	sld [smem:$0x0];
	_ =	sdelay $0x2  }
0xb8: {  	s31 =	sshll.u32 s1, $0xD;
	s1 =	sshrl.u32 s1, $0x2  }
0xb9: {  	s3 =	sand.u32 $0x4000, s31;
	s1 =	sadd.s32 s1, s30  }
0xba: {  	s0 =	sor.u32 s3, s0;
	s1 =	sshll.u32 s1, $0x11  }
0xbb: {  	s0 =	sor.u32 s1, s0  }
0xbc: {  	s0 =	sadd.s32 $0x8F2B, s0  }
0xbd: {  	[sflag:s0] =	ssyncadd.remote.s32 $0x1  }
0xbe: {  	_ =	sfence.sel $0xFFFF  }
0xbf: {  	[dreg:$0x0] =	wrdreg $0xFFFFFFFF;
	(pc) =	sbr.abs _section_cstart, $3  }
0xc0: {  	[dreg:$0x1] =	wrdreg $0xFFFFFFFF  }
0xc1: {  	_ =	task.clear_ibuf [dreg:s7], $0x2FFFF;
	_ =	strace $0x9FFFFFFF  }
0xc2: {  	(tm) =	ssettm $0x7FFFFFFF  }
0xc3: {  	_ =	shalt  }
tec
execute0_lowered:
.L_overlay_start_1:
0x0: {  	(tag) =	ssettag $0x1  }
0x1: {  	s1 =	srdreg.scid  }
0x2: {  	s0 =	stileid.u32;
	s5 =	rddreg [dreg:$0x0]  }
0x3: {  	s2 =	rddreg [dreg:$0x1];
	s4 =	sand.u32 $0x1, s1;
	s31 =	sshll.u32 s0, $0x1  }
0x4: {  	s3 =	simm.s32 $0x0;
	s8 =	simm.s32 $0x2580;
	s1 =	sor.u32 s4, s31  }
0x5: {  	s9 =	simm.s32 $0xC80;
	s10 =	simm.s32 $0x1;
	s6 =	smul.u32 $0xC40, s1  }
0x6: {  	s11 =	simm.s32 $0x1900;
	s12 =	simm.s32 $0x2;
	s13 =	simm.s32 $0x0  }
0x7: {  	[smem:$0x7FF] =	sst s3;
	s4 =	ssub.s32 $0x2, s4;
	s6 =	smin.u32 s6, $0x17A60  }
0x8: {  	s1 =	rddreg [dreg:$0x2];
	s7 =	sshrl.u32 s4, $0x1;
	s6 =	sshrl.u32 s6, $0x3  }
0x9: {  	_ =	strace $0x80000047;
	s7 =	ssub.s32 s4, s7;
	s4 =	sadd.s32 s5, s6  }
0xa: {  	s7 =	smax.u32 s7, $0x1;
	s5 =	sadd.s32 $0x3200, s4;
	s6 =	sadd.s32 $0x6400, s4  }
.LBB2_1:
0xb: {  	[tilespmem:s8], [sflag:$0x1] =	stream.linear.gather [hbm4b:s2+s3], $0x80, $0x38;
	[tilespmem:$0x2600] =	vst v63  }
0xc: {  	_ = 	snop  }
0xd: {  	[tilespmem:s3], [sflag:$0x1] =	stream.linear.gather [hbm4b:s4+s3], $0xC40, $0x38;
	[tilespmem:$0x2600] =	vst v63  }
0xe: {  	_ = 	snop  }
0xf: {  	[tilespmem:s9], [sflag:$0x1] =	stream.linear.gather [hbm4b:s5+s3], $0xC40, $0x38;
	[tilespmem:$0x2600] =	vst v63  }
0x10: {  	_ =	swait.ge [sflag:s10], $0x80  }
0x11: {  	[sflag:s10] =	ssyncset.done $0x0  }
0x12: {  	[sflag:s10] =	ssyncadd.s32 $0xFFFFFF80  }
0x13: {  	_ =	swait.ge [sflag:s10], $0xC40  }
0x14: {  	[sflag:s10] =	ssyncset.done $0x0  }
0x15: {  	[sflag:s10] =	ssyncadd.s32 $0xFFFFF3C0  }
0x16: {  	_ =	swait.ge [sflag:s10], $0xC40  }
0x17: {  	[sflag:s10] =	ssyncset.done $0x0  }
0x18: {  	s14 =	simm.s32 $0x30;
	[sflag:s10] =	ssyncadd.s32 $0xFFFFF3C0  }
0x19: {  	v0 =	vld [tilespmem:s14+$0x30]  }
0x1a: {  	v1 =	vld [tilespmem:s14+$0xFFFFFFE0]  }
0x1b: {  	v2 =	vld [tilespmem:s14+$0xFFFFFFF0]  }
0x1c: {  	v5 =	vld [tilespmem:s14+$0x0]  }
0x1d: {  	v6 =	vld [tilespmem:s14+$0x10]  }
0x1e: {  	v7 =	vld [tilespmem:s14+$0xFFFFFFD0]  }
0x1f: {  	v8 =	vld [tilespmem:s14+$0x20];
	s14 =	simm.s32 $0xCB0  }
0x20: {  	v12 =	vld [tilespmem:s14+$0x30]  }
0x21: {  	v10 =	vld [tilespmem:s14+$0xFFFFFFD0]  }
0x22: {  	v9 =	vld [tilespmem:s14+$0xFFFFFFE0]  }
0x23: {  	v11 =	vld.idx.msk [tilespmem:v0+s8+$0x0], $0xffff  }
0x24: {  	v4 =	vld.idx.msk [tilespmem:v1+s8+$0x0], $0xffff  }
0x25: {  	v3 =	vld.idx.msk [tilespmem:v2+s8+$0x0], $0xffff  }
0x26: {  	v2 =	vld.idx.msk [tilespmem:v5+s8+$0x0], $0xffff  }
0x27: {  	v1 =	vld.idx.msk [tilespmem:v6+s8+$0x0], $0xffff  }
0x28: {  	v5 =	vld.idx.msk [tilespmem:v7+s8+$0x0], $0xffff  }
0x29: {  	v0 =	vld.idx.msk [tilespmem:v8+s8+$0x0], $0xffff  }
0x2a: {  	v8 =	vld [tilespmem:s14+$0xFFFFFFF0];
	v6 =	vadd.f32 v12, v11  }
0x2b: {  	s15 =	simm.s32 $0x1930;
	v7 =	vld [tilespmem:s14+$0x0]  }
0x2c: {  	s16 =	simm.s32 $0x0;
	s17 =	simm.s32 $0xA0;
	[tilespmem:s15+$0x30] =	vst v6;
	v6 =	vld [tilespmem:s14+$0x10]  }
.LBB2_2:
0x2d: {  	v11 =	vld [tilespmem:s17+$0x30];
	s16 =	sadd.s32 $0x7, s16;
	v5 =	vadd.f32 v10, v5  }
0x2e: {  	v10 =	vld [tilespmem:s17+$0xFFFFFFE0];
	p0 =	slt.u32 s16, $0xBD;
	v4 =	vadd.f32 v9, v4  }
0x2f: {  	v9 =	vld [tilespmem:s17+$0xFFFFFFF0];
	[tilespmem:s15+$0xFFFFFFD0] =	vst v5;
	v3 =	vadd.f32 v8, v3  }
0x30: {  	v5 =	vld [tilespmem:s17+$0x0];
	[tilespmem:s15+$0xFFFFFFE0] =	vst v4;
	v2 =	vadd.f32 v7, v2  }
0x31: {  	v7 =	vld [tilespmem:s17+$0x10];
	[tilespmem:s15+$0xFFFFFFF0] =	vst v3;
	v1 =	vadd.f32 v6, v1  }
0x32: {  	v6 =	vld [tilespmem:s17+$0x20];
	[tilespmem:s15+$0x0] =	vst v2  }
0x33: {  	v8 =	vld [tilespmem:s17+$0xFFFFFFD0];
	[tilespmem:s15+$0x10] =	vst v1  }
0x34: {  	v1 =	vld [tilespmem:s14+$0x20]  }
0x35: {  	s14 =	sadd.s32 $0x70, s14;
	v11 =	vld.idx.msk [tilespmem:v11+s8+$0x0], $0xffff  }
0x36: {  	v12 =	vld [tilespmem:s14+$0x30]  }
0x37: {  	v4 =	vld.idx.msk [tilespmem:v10+s8+$0x0], $0xffff  }
0x38: {  	v3 =	vld.idx.msk [tilespmem:v9+s8+$0x0], $0xffff  }
0x39: {  	v2 =	vld.idx.msk [tilespmem:v5+s8+$0x0], $0xffff;
	v0 =	vadd.f32 v1, v0  }
0x3a: {  	v1 =	vld.idx.msk [tilespmem:v7+s8+$0x0], $0xffff  }
0x3b: {  	v5 =	vld.idx.msk [tilespmem:v8+s8+$0x0], $0xffff;
	v7 =	vadd.f32 v12, v11;
	[tilespmem:s15+$0x20] =	vst v0  }
0x3c: {  	s15 =	sadd.s32 $0x70, s15;
	v0 =	vld.idx.msk [tilespmem:v6+s8+$0x0], $0xffff  }
.Ltmp0:
0x3d: {  	v10 =	vld [tilespmem:s14+$0xFFFFFFD0];
	[tilespmem:s15+$0x30] =	vst v7;
	(pc) =	sbr.rel @p0 .LBB2_2-.Ltmp0, $4  }
0x3e: {  	v9 =	vld [tilespmem:s14+$0xFFFFFFE0]  }
0x3f: {  	v8 =	vld [tilespmem:s14+$0xFFFFFFF0]  }
0x40: {  	v7 =	vld [tilespmem:s14+$0x0]  }
0x41: {  	s17 =	sadd.s32 $0x70, s17;
	v6 =	vld [tilespmem:s14+$0x10]  }
0x42: {  	v5 =	vadd.f32 v10, v5;
	v63 =	vld [tilespmem:s14+$0x20]  }
0x43: {  	v4 =	vadd.f32 v9, v4  }
0x44: {  	[tilespmem:s15+$0xFFFFFFD0] =	vst v5;
	v3 =	vadd.f32 v8, v3  }
0x45: {  	[tilespmem:s15+$0xFFFFFFE0] =	vst v4;
	v2 =	vadd.f32 v7, v2  }
0x46: {  	[tilespmem:s15+$0xFFFFFFF0] =	vst v3;
	v1 =	vadd.f32 v6, v1  }
0x47: {  	s13 =	sadd.s32 $0x1, s13;
	[tilespmem:s15+$0x0] =	vst v2;
	v0 =	vadd.f32 v63, v0  }
0x48: {  	p0 =	sne.s32 s13, s7;
	[tilespmem:s15+$0x10] =	vst v1  }
.Ltmp1:
0x49: {  	[tilespmem:s15+$0x20] =	vst v0;
	(pc) =	sbr.rel @p0 .LBB2_1-.Ltmp1, $4  }
0x4a: {  	[hbm4b:s6+s3] =	stream.linear.scatter [tilespmem:s11], [sflag:$0x2], $0xC40, $0x38;
	[tilespmem:$0x2600] =	vst v63  }
0x4b: {  	_ =	swait.ge [sflag:s12], $0xC40  }
0x4c: {  	[sflag:s12] =	ssyncset.done $0x0  }
0x4d: {  	[sflag:s12] =	ssyncadd.s32 $0xFFFFF3C0  }
0x4e: {  	_ =	sfence.sel $0x180000  }
0x4f: {  	[bflag:$0x0] =	sbarrier.arrive $0xFFFF  }
0x50: {  	p0 =	sne.s32 s0, $0x0;
	_ =	strace $0x90000047  }
0x51: {  	s0 =	sadd.s32 @!p0 $0x100000, s1;
	[bflag:$0x2] =	sbarrier.arrive $0xFFFF  }
0x52: {  	[sflag:s0] =	ssyncadd.tile.s32 @!p0 $0x1;
	_ =	shalt  }
.Lfunc_end2:
_tile_overlayer_lowered:
.L_overlay_start_2:
0x53: {  	(tag) =	ssettag $0x2  }
0x54: {  	s0 =	rddreg [dreg:$0x0];
	s2 =	stileid.u32  }
0x55: {  	s1 =	rddreg [dreg:$0x1];
	p0 =	sne.s32 s2, $0x0  }
0x56: {  	s3 =	rddreg [dreg:$0x2];
	[bflag:$0x3] =	sbarrier.arrive $0xFFFF;
	s2 =	simm.s32 @!p0 $0x1C02  }
0x57: {  	[timem:s3], [sflag:s2] =	dma.local @!p0 [hbm:s0], s1  }
0x58: {  	s0 =	simm.s32 @!p0 $0x2  }
0x59: {  	_ =	swait.ge @!p0 [sflag:s0], s1  }
0x5a: {  	s1 =	ssub.s32 @!p0 $0x0, s1;
	[sflag:s0] =	ssyncset.done @!p0 $0x0  }
0x5b: {  	[sflag:s0] =	ssyncadd.s32 @!p0 s1  }
0x5c: {  	[bflag:$0x3] =	sbarrier.arrive $0xFFFF  }
0x5d: {  	_ =	shalt  }

</sc_bundles>
